<compile_context>
chip_gen: v7x
topology: tpu7x:2x2x1
jax: 0.10.2.dev20260603
libtpu: 0.0.44.dev20260713+nightly
codegen_flags: <defaults>
</compile_context>

<pallas_src>
import functools

import jax
import jax.numpy as jnp
from jax import lax
from jax.experimental import pallas as pl
from jax.experimental.pallas import tpu as pltpu
from jax.experimental.pallas import tpu_sc as plsc

N = 10000
E = 320000
D = 128

NC = 2
NS = 16
NW = NC * NS
CHUNK = 128
CH0 = 128
CH1 = 32
TCH = NS * (CH0 + CH1)
NBUF = 1
E_PAD = TCH * CHUNK
NPAD = 10112
RPS = NPAD // NS


def _sc_aggregate(src2, dst2, x):
    mesh = plsc.VectorSubcoreMesh(core_axis_name="c", subcore_axis_name="s")

    @functools.partial(
        pl.kernel,
        out_type=jax.ShapeDtypeStruct((NC, NPAD, D), jnp.float32),
        mesh=mesh,
        scratch_types=[
            pltpu.VMEM((CH0, CHUNK), jnp.int32),
            pltpu.VMEM((CH0, CHUNK), jnp.int32),
            [pltpu.VMEM((CHUNK, D), jnp.float32) for _ in range(NBUF)],
            pltpu.VMEM_SHARED((NPAD, D), jnp.float32),
            [pltpu.SemaphoreType.DMA for _ in range(NBUF)],
            [pltpu.SemaphoreType.DMA for _ in range(NBUF)],
        ],
    )
    def agg_kernel(src_hbm, dst_hbm, x_hbm, out_hbm, src_v, dst_v, bufs,
                   agg_sh, gsems, ssems):
        c = lax.axis_index("c")
        s = lax.axis_index("s")

        base = s * RPS

        @pl.when(c == 0)
        def _():
            pltpu.sync_copy(x_hbm.at[pl.ds(base, RPS)],
                            agg_sh.at[pl.ds(base, RPS)])

        @pl.when(c == 1)
        def _():
            zeros16 = jnp.zeros((16,), jnp.float32)
            zbuf = bufs[0]

            @pl.loop(0, CHUNK)
            def _(i):
                @pl.loop(0, D // 16)
                def _(k):
                    zbuf[i, pl.ds(k * 16, 16)] = zeros16

            for k in range(4):
                pltpu.sync_copy(zbuf,
                                agg_sh.at[pl.ds(base + k * CHUNK, CHUNK)])
            pltpu.sync_copy(zbuf.at[pl.ds(0, RPS - 4 * CHUNK)],
                            agg_sh.at[pl.ds(base + 4 * CHUNK,
                                            RPS - 4 * CHUNK)])

        plsc.subcore_barrier()

        def run(start, count):
            pltpu.sync_copy(src_hbm.at[pl.ds(start, count)],
                            src_v.at[pl.ds(0, count)])
            pltpu.sync_copy(dst_hbm.at[pl.ds(start, count)],
                            dst_v.at[pl.ds(0, count)])

            @pl.loop(0, count)
            def _(j):
                pltpu.async_copy(x_hbm.at[src_v.at[j]], bufs[0],
                                 gsems[0]).wait()
                pltpu.sync_copy(bufs[0], agg_sh.at[dst_v.at[j]], add=True)

        @pl.when(c == 0)
        def _():
            run(s * CH0, CH0)

        @pl.when(c == 1)
        def _():
            run(NS * CH0 + s * CH1, CH1)

        plsc.subcore_barrier()
        pltpu.sync_copy(agg_sh.at[pl.ds(s * RPS, RPS)],
                        out_hbm.at[c].at[pl.ds(s * RPS, RPS)])

    return agg_kernel(src2, dst2, x)


def _mlp_body(p_ref, w1_ref, b1_ref, w2_ref, b2_ref, o_ref):
    out = p_ref[0] + p_ref[1]
    h = jnp.maximum(
        jnp.dot(out, w1_ref[...], preferred_element_type=jnp.float32)
        + b1_ref[...], 0.0)
    o_ref[...] = (jnp.dot(h, w2_ref[...], preferred_element_type=jnp.float32)
                  + b2_ref[...])


def _mlp(partials, W1, b1, W2, b2):
    BLK = 1000
    grid = (N // BLK,)
    return pl.pallas_call(
        _mlp_body,
        grid=grid,
        in_specs=[
            pl.BlockSpec((NC, BLK, D), lambda i: (0, i, 0)),
            pl.BlockSpec((D, D), lambda i: (0, 0)),
            pl.BlockSpec((1, D), lambda i: (0, 0)),
            pl.BlockSpec((D, D), lambda i: (0, 0)),
            pl.BlockSpec((1, D), lambda i: (0, 0)),
        ],
        out_specs=pl.BlockSpec((BLK, D), lambda i: (i, 0)),
        out_shape=jax.ShapeDtypeStruct((N, D), jnp.float32),
    )(partials, W1, b1, W2, b2)


@jax.jit
def kernel(x, edge_index, W1, b1, W2, b2):
    src = edge_index[0]
    dst = edge_index[1]
    pad = E_PAD - E
    src_p = jnp.concatenate([src, jnp.zeros((pad,), jnp.int32)])
    dst_p = jnp.concatenate([dst, jnp.full((pad,), N, jnp.int32)])
    src2 = src_p.reshape(TCH, CHUNK)
    dst2 = dst_p.reshape(TCH, CHUNK)
    xp = jnp.concatenate([x, jnp.zeros((NPAD - N, D), jnp.float32)])

    partials = _sc_aggregate(src2, dst2, xp)
    return _mlp(partials, W1, b1.reshape(1, D), W2, b2.reshape(1, D))

# --- scband reference (transcript-rebuilt; emitter-appended) ---
"""Pipeline reference for scband-gin-53609781789214 (READ-ONLY COPY).

The authoritative reference and input builder live on the scoring server;
editing this copy changes nothing except your own understanding.
"""

import jax, jax.numpy as jnp
import numpy as np

N_NODES = 10000
N_EDGES = 320000
D = 128
EPS = 0.0


def setup_inputs(seed: int = 0) -> dict:
    key = jax.random.key(seed)
    k1, k2, k3, k4, k5, k6 = jax.random.split(key, 6)
    x = jax.random.normal(k1, (N_NODES, D), dtype=jnp.float32)
    edge_index = jax.random.randint(k2, (2, N_EDGES), 0, N_NODES, dtype=jnp.int32)
    # GIN MLP h_Theta: Linear(D,D) -> ReLU -> Linear(D,D)
    W1 = jax.random.normal(k3, (D, D), dtype=jnp.float32) * (1.0 / np.sqrt(D))
    b1 = jnp.zeros((D,), dtype=jnp.float32)
    W2 = jax.random.normal(k4, (D, D), dtype=jnp.float32) * (1.0 / np.sqrt(D))
    b2 = jnp.zeros((D,), dtype=jnp.float32)
    return {"x": x, "edge_index": edge_index, "W1": W1, "b1": b1, "W2": W2, "b2": b2}


def reference(x, edge_index, W1, b1, W2, b2):
    # GINConv: out = h_Theta((1+eps)*x_i + sum_{j in N(i)} x_j), aggr='add'
    src = edge_index[0]  # x_j source nodes
    dst = edge_index[1]  # i destination nodes
    msgs = jnp.take(x, src, axis=0)               # gather (SparseCore)
    agg = jax.ops.segment_sum(msgs, dst, num_segments=N_NODES)  # scatter-add
    out = agg + (1.0 + EPS) * x
    h = jnp.maximum(out @ W1 + b1, 0.0)
    return h @ W2 + b2

if __name__ == "__main__":
    import jax
    _d = setup_inputs()
    print(jax.jit(kernel)(*tuple(_d.values())))

</pallas_src>

<mosaic_0001>
#map = affine_map<(d0, d1) -> (0, 0)>
#map1 = affine_map<(d0, d1) -> (0, 0, 0)>
module attributes {stable_mosaic.version = 14 : i64} {
  func.func @agg_kernel(%arg0: i32, %arg1: i32, %arg2: memref<2560x128xi32, #tpu.memory_space<hbm>>, %arg3: memref<2560x128xi32, #tpu.memory_space<hbm>>, %arg4: memref<10112x128xf32, #tpu.memory_space<hbm>>, %arg5: memref<2x10112x128xf32, #tpu.memory_space<hbm>>, %arg6: memref<128x128xi32, #tpu.memory_space<vmem>>, %arg7: memref<128x128xi32, #tpu.memory_space<vmem>>, %arg8: memref<128x128xf32, #tpu.memory_space<vmem>>, %arg9: memref<10112x128xf32, #tpu.memory_space<vmem_shared>>, %arg10: memref<!tpu.dma_semaphore, #tpu.memory_space<semaphore_mem>>, %arg11: memref<!tpu.dma_semaphore, #tpu.memory_space<semaphore_mem>>) attributes {dimension_semantics = [#tpu.dimension_semantics<core_parallel>, #tpu.dimension_semantics<subcore_parallel>], iteration_bounds = array<i64: 2, 16>, scalar_prefetch = 0 : i64, scratch_operands = 6 : i64, tpu.core_type = #tpu.core_type<sc_vector_subcore>, window_params = [{transform_indices = #map}, {transform_indices = #map}, {transform_indices = #map}, {transform_indices = #map1}]} {
    %mul3A = arith.constant 632 : i32
    %mul3A_0 = arith.muli %arg1, %mul3A : i32
    %eq3A = arith.constant 0 : i32
    %eq3A_1 = arith.cmpi eq, %arg0, %eq3A : i32
    %convert_element_type3A = arith.extui %eq3A_1 : i1 to i32
    %cond3A = arith.constant 0 : i32
    %cond3A_2 = arith.cmpi ne, %convert_element_type3A, %cond3A : i32
    scf.if %cond3A_2 {
      "tpu.region"() ({
        %run_scoped3A = tpu.sem_alloc : memref<!tpu.dma_semaphore, #tpu.memory_space<semaphore_mem>>
        %dma_start3A = arith.constant 0 : i32
        %dma_start3A_23 = tpu.memref_slice %arg9[%mul3A_0, %dma_start3A] : memref<10112x128xf32, #tpu.memory_space<vmem_shared>> -> memref<632x128xf32, #tpu.memory_space<vmem_shared>>
        %dma_start3A_24 = arith.constant 0 : i32
        %dma_start3A_25 = tpu.memref_slice %arg4[%mul3A_0, %dma_start3A_24] : memref<10112x128xf32, #tpu.memory_space<hbm>> -> memref<632x128xf32, #tpu.memory_space<hbm>>
        tpu.enqueue_dma source(%dma_start3A_25 : memref<632x128xf32, #tpu.memory_space<hbm>>) target(%dma_start3A_23 : memref<632x128xf32, #tpu.memory_space<vmem_shared>>) target_semaphore(%run_scoped3A : memref<!tpu.dma_semaphore, #tpu.memory_space<semaphore_mem>>)
        %dma_wait3A = arith.constant 0 : i32
        %dma_wait3A_26 = tpu.memref_slice %arg9[%mul3A_0, %dma_wait3A] : memref<10112x128xf32, #tpu.memory_space<vmem_shared>> -> memref<632x128xf32, #tpu.memory_space<vmem_shared>>
        %dma_wait3A_27 = arith.constant 0 : i32
        %dma_wait3A_28 = tpu.memref_slice %arg4[%mul3A_0, %dma_wait3A_27] : memref<10112x128xf32, #tpu.memory_space<hbm>> -> memref<632x128xf32, #tpu.memory_space<hbm>>
        tpu.wait_dma2 semaphore(%run_scoped3A : memref<!tpu.dma_semaphore, #tpu.memory_space<semaphore_mem>>) src(%dma_wait3A_28 : memref<632x128xf32, #tpu.memory_space<hbm>>) dst(%dma_wait3A_26 : memref<632x128xf32, #tpu.memory_space<vmem_shared>>)
        tpu.yield
      }) : () -> ()
    } else {
    }
    %eq3A_3 = arith.constant 1 : i32
    %eq3A_4 = arith.cmpi eq, %arg0, %eq3A_3 : i32
    %convert_element_type3A_5 = arith.extui %eq3A_4 : i1 to i32
    %cond3A_6 = arith.constant 0 : i32
    %cond3A_7 = arith.cmpi ne, %convert_element_type3A_5, %cond3A_6 : i32
    scf.if %cond3A_7 {
      %broadcast_in_dim3A = arith.constant 0.000000e+00 : f32
      %broadcast_in_dim3A_23 = vector.broadcast %broadcast_in_dim3A : f32 to vector<16xf32>
      %scan3A = arith.constant 0 : i32
      %scan3A_24 = arith.constant 128 : i32
      %scan3A_25 = arith.addi %scan3A, %scan3A_24 : i32
      %scan3A_26 = arith.constant 1 : i32
      scf.for %scan3A_37 = %scan3A to %scan3A_25 step %scan3A_26  : i32 {
        %mul3A_38 = arith.constant 1 : i32
        %mul3A_39 = arith.muli %scan3A_37, %mul3A_38 : i32
        %add3A_40 = arith.constant 0 : i32
        %add3A_41 = arith.addi %add3A_40, %mul3A_39 : i32
        %scan3A_42 = arith.constant 0 : i32
        %scan3A_43 = arith.constant 8 : i32
        %scan3A_44 = arith.addi %scan3A_42, %scan3A_43 : i32
        %scan3A_45 = arith.constant 1 : i32
        scf.for %scan3A_47 = %scan3A_42 to %scan3A_44 step %scan3A_45  : i32 {
          %mul3A_48 = arith.constant 1 : i32
          %mul3A_49 = arith.muli %scan3A_47, %mul3A_48 : i32
          %add3A_50 = arith.constant 0 : i32
          %add3A_51 = arith.addi %add3A_50, %mul3A_49 : i32
          %mul3A_52 = arith.constant 16 : i32
          %mul3A_53 = arith.muli %add3A_51, %mul3A_52 : i32
          %swap3A = arith.index_cast %add3A_41 : i32 to index
          %swap3A_54 = arith.index_cast %mul3A_53 : i32 to index
          %swap3A_55 = tpu.vector_load %arg8[%swap3A, %swap3A_54] {strides = array<i32>} : memref<128x128xf32, #tpu.memory_space<vmem>>, vector<1x16xf32>,
          %swap3A_56 = vector.shape_cast %swap3A_55 : vector<1x16xf32> to vector<16xf32>
          %swap3A_57 = vector.shape_cast %broadcast_in_dim3A_23 : vector<16xf32> to vector<1x16xf32>
          tpu.vector_store %arg8[%swap3A, %swap3A_54], %swap3A_57 {strides = array<i32>} : memref<128x128xf32, #tpu.memory_space<vmem>>, vector<1x16xf32>,
        }
        %scan3A_46 = arith.constant 8 : i32
      }
      %scan3A_27 = arith.constant 128 : i32
      %add3A = arith.constant 0 : i32
      %add3A_28 = arith.addi %mul3A_0, %add3A : i32
      "tpu.region"() ({
        %run_scoped3A = tpu.sem_alloc : memref<!tpu.dma_semaphore, #tpu.memory_space<semaphore_mem>>
        %dma_start3A = arith.constant 0 : i32
        %dma_start3A_37 = tpu.memref_slice %arg9[%add3A_28, %dma_start3A] : memref<10112x128xf32, #tpu.memory_space<vmem_shared>> -> memref<128x128xf32, #tpu.memory_space<vmem_shared>>
        %dma_start3A_38 = arith.constant 0 : i32
        %dma_start3A_39 = tpu.memref_slice %arg9[%add3A_28, %dma_start3A_38] : memref<10112x128xf32, #tpu.memory_space<vmem_shared>> -> memref<128x128xf32, #tpu.memory_space<vmem_shared>>
        tpu.enqueue_dma source(%arg8 : memref<128x128xf32, #tpu.memory_space<vmem>>) target(%dma_start3A_39 : memref<128x128xf32, #tpu.memory_space<vmem_shared>>) target_semaphore(%run_scoped3A : memref<!tpu.dma_semaphore, #tpu.memory_space<semaphore_mem>>)
        %dma_wait3A = arith.constant 0 : i32
        %dma_wait3A_40 = tpu.memref_slice %arg9[%add3A_28, %dma_wait3A] : memref<10112x128xf32, #tpu.memory_space<vmem_shared>> -> memref<128x128xf32, #tpu.memory_space<vmem_shared>>
        %dma_wait3A_41 = arith.constant 0 : i32
        %dma_wait3A_42 = tpu.memref_slice %arg9[%add3A_28, %dma_wait3A_41] : memref<10112x128xf32, #tpu.memory_space<vmem_shared>> -> memref<128x128xf32, #tpu.memory_space<vmem_shared>>
        tpu.wait_dma2 semaphore(%run_scoped3A : memref<!tpu.dma_semaphore, #tpu.memory_space<semaphore_mem>>) src(%arg8 : memref<128x128xf32, #tpu.memory_space<vmem>>) dst(%dma_wait3A_42 : memref<128x128xf32, #tpu.memory_space<vmem_shared>>)
        tpu.yield
      }) : () -> ()
      %add3A_29 = arith.constant 128 : i32
      %add3A_30 = arith.addi %mul3A_0, %add3A_29 : i32
      "tpu.region"() ({
        %run_scoped3A = tpu.sem_alloc : memref<!tpu.dma_semaphore, #tpu.memory_space<semaphore_mem>>
        %dma_start3A = arith.constant 0 : i32
        %dma_start3A_37 = tpu.memref_slice %arg9[%add3A_30, %dma_start3A] : memref<10112x128xf32, #tpu.memory_space<vmem_shared>> -> memref<128x128xf32, #tpu.memory_space<vmem_shared>>
        %dma_start3A_38 = arith.constant 0 : i32
        %dma_start3A_39 = tpu.memref_slice %arg9[%add3A_30, %dma_start3A_38] : memref<10112x128xf32, #tpu.memory_space<vmem_shared>> -> memref<128x128xf32, #tpu.memory_space<vmem_shared>>
        tpu.enqueue_dma source(%arg8 : memref<128x128xf32, #tpu.memory_space<vmem>>) target(%dma_start3A_39 : memref<128x128xf32, #tpu.memory_space<vmem_shared>>) target_semaphore(%run_scoped3A : memref<!tpu.dma_semaphore, #tpu.memory_space<semaphore_mem>>)
        %dma_wait3A = arith.constant 0 : i32
        %dma_wait3A_40 = tpu.memref_slice %arg9[%add3A_30, %dma_wait3A] : memref<10112x128xf32, #tpu.memory_space<vmem_shared>> -> memref<128x128xf32, #tpu.memory_space<vmem_shared>>
        %dma_wait3A_41 = arith.constant 0 : i32
        %dma_wait3A_42 = tpu.memref_slice %arg9[%add3A_30, %dma_wait3A_41] : memref<10112x128xf32, #tpu.memory_space<vmem_shared>> -> memref<128x128xf32, #tpu.memory_space<vmem_shared>>
        tpu.wait_dma2 semaphore(%run_scoped3A : memref<!tpu.dma_semaphore, #tpu.memory_space<semaphore_mem>>) src(%arg8 : memref<128x128xf32, #tpu.memory_space<vmem>>) dst(%dma_wait3A_42 : memref<128x128xf32, #tpu.memory_space<vmem_shared>>)
        tpu.yield
      }) : () -> ()
      %add3A_31 = arith.constant 256 : i32
      %add3A_32 = arith.addi %mul3A_0, %add3A_31 : i32
      "tpu.region"() ({
        %run_scoped3A = tpu.sem_alloc : memref<!tpu.dma_semaphore, #tpu.memory_space<semaphore_mem>>
        %dma_start3A = arith.constant 0 : i32
        %dma_start3A_37 = tpu.memref_slice %arg9[%add3A_32, %dma_start3A] : memref<10112x128xf32, #tpu.memory_space<vmem_shared>> -> memref<128x128xf32, #tpu.memory_space<vmem_shared>>
        %dma_start3A_38 = arith.constant 0 : i32
        %dma_start3A_39 = tpu.memref_slice %arg9[%add3A_32, %dma_start3A_38] : memref<10112x128xf32, #tpu.memory_space<vmem_shared>> -> memref<128x128xf32, #tpu.memory_space<vmem_shared>>
        tpu.enqueue_dma source(%arg8 : memref<128x128xf32, #tpu.memory_space<vmem>>) target(%dma_start3A_39 : memref<128x128xf32, #tpu.memory_space<vmem_shared>>) target_semaphore(%run_scoped3A : memref<!tpu.dma_semaphore, #tpu.memory_space<semaphore_mem>>)
        %dma_wait3A = arith.constant 0 : i32
        %dma_wait3A_40 = tpu.memref_slice %arg9[%add3A_32, %dma_wait3A] : memref<10112x128xf32, #tpu.memory_space<vmem_shared>> -> memref<128x128xf32, #tpu.memory_space<vmem_shared>>
        %dma_wait3A_41 = arith.constant 0 : i32
        %dma_wait3A_42 = tpu.memref_slice %arg9[%add3A_32, %dma_wait3A_41] : memref<10112x128xf32, #tpu.memory_space<vmem_shared>> -> memref<128x128xf32, #tpu.memory_space<vmem_shared>>
        tpu.wait_dma2 semaphore(%run_scoped3A : memref<!tpu.dma_semaphore, #tpu.memory_space<semaphore_mem>>) src(%arg8 : memref<128x128xf32, #tpu.memory_space<vmem>>) dst(%dma_wait3A_42 : memref<128x128xf32, #tpu.memory_space<vmem_shared>>)
        tpu.yield
      }) : () -> ()
      %add3A_33 = arith.constant 384 : i32
      %add3A_34 = arith.addi %mul3A_0, %add3A_33 : i32
      "tpu.region"() ({
        %run_scoped3A = tpu.sem_alloc : memref<!tpu.dma_semaphore, #tpu.memory_space<semaphore_mem>>
        %dma_start3A = arith.constant 0 : i32
        %dma_start3A_37 = tpu.memref_slice %arg9[%add3A_34, %dma_start3A] : memref<10112x128xf32, #tpu.memory_space<vmem_shared>> -> memref<128x128xf32, #tpu.memory_space<vmem_shared>>
        %dma_start3A_38 = arith.constant 0 : i32
        %dma_start3A_39 = tpu.memref_slice %arg9[%add3A_34, %dma_start3A_38] : memref<10112x128xf32, #tpu.memory_space<vmem_shared>> -> memref<128x128xf32, #tpu.memory_space<vmem_shared>>
        tpu.enqueue_dma source(%arg8 : memref<128x128xf32, #tpu.memory_space<vmem>>) target(%dma_start3A_39 : memref<128x128xf32, #tpu.memory_space<vmem_shared>>) target_semaphore(%run_scoped3A : memref<!tpu.dma_semaphore, #tpu.memory_space<semaphore_mem>>)
        %dma_wait3A = arith.constant 0 : i32
        %dma_wait3A_40 = tpu.memref_slice %arg9[%add3A_34, %dma_wait3A] : memref<10112x128xf32, #tpu.memory_space<vmem_shared>> -> memref<128x128xf32, #tpu.memory_space<vmem_shared>>
        %dma_wait3A_41 = arith.constant 0 : i32
        %dma_wait3A_42 = tpu.memref_slice %arg9[%add3A_34, %dma_wait3A_41] : memref<10112x128xf32, #tpu.memory_space<vmem_shared>> -> memref<128x128xf32, #tpu.memory_space<vmem_shared>>
        tpu.wait_dma2 semaphore(%run_scoped3A : memref<!tpu.dma_semaphore, #tpu.memory_space<semaphore_mem>>) src(%arg8 : memref<128x128xf32, #tpu.memory_space<vmem>>) dst(%dma_wait3A_42 : memref<128x128xf32, #tpu.memory_space<vmem_shared>>)
        tpu.yield
      }) : () -> ()
      %add3A_35 = arith.constant 512 : i32
      %add3A_36 = arith.addi %mul3A_0, %add3A_35 : i32
      "tpu.region"() ({
        %run_scoped3A = tpu.sem_alloc : memref<!tpu.dma_semaphore, #tpu.memory_space<semaphore_mem>>
        %dma_start3A = arith.constant 0 : i32
        %dma_start3A_37 = arith.constant 0 : i32
        %dma_start3A_38 = tpu.memref_slice %arg8[%dma_start3A, %dma_start3A_37] : memref<128x128xf32, #tpu.memory_space<vmem>> -> memref<120x128xf32, #tpu.memory_space<vmem>>
        %dma_start3A_39 = arith.constant 0 : i32
        %dma_start3A_40 = tpu.memref_slice %arg9[%add3A_36, %dma_start3A_39] : memref<10112x128xf32, #tpu.memory_space<vmem_shared>> -> memref<120x128xf32, #tpu.memory_space<vmem_shared>>
        %dma_start3A_41 = arith.constant 0 : i32
        %dma_start3A_42 = tpu.memref_slice %arg9[%add3A_36, %dma_start3A_41] : memref<10112x128xf32, #tpu.memory_space<vmem_shared>> -> memref<120x128xf32, #tpu.memory_space<vmem_shared>>
        %dma_start3A_43 = arith.constant 0 : i32
        %dma_start3A_44 = arith.constant 0 : i32
        %dma_start3A_45 = tpu.memref_slice %arg8[%dma_start3A_43, %dma_start3A_44] : memref<128x128xf32, #tpu.memory_space<vmem>> -> memref<120x128xf32, #tpu.memory_space<vmem>>
        tpu.enqueue_dma source(%dma_start3A_45 : memref<120x128xf32, #tpu.memory_space<vmem>>) target(%dma_start3A_42 : memref<120x128xf32, #tpu.memory_space<vmem_shared>>) target_semaphore(%run_scoped3A : memref<!tpu.dma_semaphore, #tpu.memory_space<semaphore_mem>>)
        %dma_wait3A = arith.constant 0 : i32
        %dma_wait3A_46 = arith.constant 0 : i32
        %dma_wait3A_47 = tpu.memref_slice %arg8[%dma_wait3A, %dma_wait3A_46] : memref<128x128xf32, #tpu.memory_space<vmem>> -> memref<120x128xf32, #tpu.memory_space<vmem>>
        %dma_wait3A_48 = arith.constant 0 : i32
        %dma_wait3A_49 = tpu.memref_slice %arg9[%add3A_36, %dma_wait3A_48] : memref<10112x128xf32, #tpu.memory_space<vmem_shared>> -> memref<120x128xf32, #tpu.memory_space<vmem_shared>>
        %dma_wait3A_50 = arith.constant 0 : i32
        %dma_wait3A_51 = tpu.memref_slice %arg9[%add3A_36, %dma_wait3A_50] : memref<10112x128xf32, #tpu.memory_space<vmem_shared>> -> memref<120x128xf32, #tpu.memory_space<vmem_shared>>
        %dma_wait3A_52 = arith.constant 0 : i32
        %dma_wait3A_53 = arith.constant 0 : i32
        %dma_wait3A_54 = tpu.memref_slice %arg8[%dma_wait3A_52, %dma_wait3A_53] : memref<128x128xf32, #tpu.memory_space<vmem>> -> memref<120x128xf32, #tpu.memory_space<vmem>>
        tpu.wait_dma2 semaphore(%run_scoped3A : memref<!tpu.dma_semaphore, #tpu.memory_space<semaphore_mem>>) src(%dma_wait3A_54 : memref<120x128xf32, #tpu.memory_space<vmem>>) dst(%dma_wait3A_51 : memref<120x128xf32, #tpu.memory_space<vmem_shared>>)
        tpu.yield
      }) : () -> ()
    } else {
    }
    %barrier3A = arith.constant 0 : index
    tpu.barrier barrier_id(%barrier3A)
    %eq3A_8 = arith.constant 0 : i32
    %eq3A_9 = arith.cmpi eq, %arg0, %eq3A_8 : i32
    %convert_element_type3A_10 = arith.extui %eq3A_9 : i1 to i32
    %cond3A_11 = arith.constant 0 : i32
    %cond3A_12 = arith.cmpi ne, %convert_element_type3A_10, %cond3A_11 : i32
    scf.if %cond3A_12 {
      %mul3A_23 = arith.constant 128 : i32
      %mul3A_24 = arith.muli %arg1, %mul3A_23 : i32
      "tpu.region"() ({
        %run_scoped3A = tpu.sem_alloc : memref<!tpu.dma_semaphore, #tpu.memory_space<semaphore_mem>>
        %dma_start3A = arith.constant 0 : i32
        %dma_start3A_29 = arith.constant 0 : i32
        %dma_start3A_30 = tpu.memref_slice %arg6[%dma_start3A, %dma_start3A_29] : memref<128x128xi32, #tpu.memory_space<vmem>> -> memref<128x128xi32, #tpu.memory_space<vmem>>
        %dma_start3A_31 = arith.constant 0 : i32
        %dma_start3A_32 = tpu.memref_slice %arg2[%mul3A_24, %dma_start3A_31] : memref<2560x128xi32, #tpu.memory_space<hbm>> -> memref<128x128xi32, #tpu.memory_space<hbm>>
        %dma_start3A_33 = arith.constant 0 : i32
        %dma_start3A_34 = arith.constant 0 : i32
        %dma_start3A_35 = tpu.memref_slice %arg6[%dma_start3A_33, %dma_start3A_34] : memref<128x128xi32, #tpu.memory_space<vmem>> -> memref<128x128xi32, #tpu.memory_space<vmem>>
        %dma_start3A_36 = arith.constant 0 : i32
        %dma_start3A_37 = tpu.memref_slice %arg2[%mul3A_24, %dma_start3A_36] : memref<2560x128xi32, #tpu.memory_space<hbm>> -> memref<128x128xi32, #tpu.memory_space<hbm>>
        tpu.enqueue_dma source(%dma_start3A_37 : memref<128x128xi32, #tpu.memory_space<hbm>>) target(%dma_start3A_35 : memref<128x128xi32, #tpu.memory_space<vmem>>) target_semaphore(%run_scoped3A : memref<!tpu.dma_semaphore, #tpu.memory_space<semaphore_mem>>)
        %dma_wait3A = arith.constant 0 : i32
        %dma_wait3A_38 = arith.constant 0 : i32
        %dma_wait3A_39 = tpu.memref_slice %arg6[%dma_wait3A, %dma_wait3A_38] : memref<128x128xi32, #tpu.memory_space<vmem>> -> memref<128x128xi32, #tpu.memory_space<vmem>>
        %dma_wait3A_40 = arith.constant 0 : i32
        %dma_wait3A_41 = tpu.memref_slice %arg2[%mul3A_24, %dma_wait3A_40] : memref<2560x128xi32, #tpu.memory_space<hbm>> -> memref<128x128xi32, #tpu.memory_space<hbm>>
        %dma_wait3A_42 = arith.constant 0 : i32
        %dma_wait3A_43 = arith.constant 0 : i32
        %dma_wait3A_44 = tpu.memref_slice %arg6[%dma_wait3A_42, %dma_wait3A_43] : memref<128x128xi32, #tpu.memory_space<vmem>> -> memref<128x128xi32, #tpu.memory_space<vmem>>
        %dma_wait3A_45 = arith.constant 0 : i32
        %dma_wait3A_46 = tpu.memref_slice %arg2[%mul3A_24, %dma_wait3A_45] : memref<2560x128xi32, #tpu.memory_space<hbm>> -> memref<128x128xi32, #tpu.memory_space<hbm>>
        tpu.wait_dma2 semaphore(%run_scoped3A : memref<!tpu.dma_semaphore, #tpu.memory_space<semaphore_mem>>) src(%dma_wait3A_46 : memref<128x128xi32, #tpu.memory_space<hbm>>) dst(%dma_wait3A_44 : memref<128x128xi32, #tpu.memory_space<vmem>>)
        tpu.yield
      }) : () -> ()
      "tpu.region"() ({
        %run_scoped3A = tpu.sem_alloc : memref<!tpu.dma_semaphore, #tpu.memory_space<semaphore_mem>>
        %dma_start3A = arith.constant 0 : i32
        %dma_start3A_29 = arith.constant 0 : i32
        %dma_start3A_30 = tpu.memref_slice %arg7[%dma_start3A, %dma_start3A_29] : memref<128x128xi32, #tpu.memory_space<vmem>> -> memref<128x128xi32, #tpu.memory_space<vmem>>
        %dma_start3A_31 = arith.constant 0 : i32
        %dma_start3A_32 = tpu.memref_slice %arg3[%mul3A_24, %dma_start3A_31] : memref<2560x128xi32, #tpu.memory_space<hbm>> -> memref<128x128xi32, #tpu.memory_space<hbm>>
        %dma_start3A_33 = arith.constant 0 : i32
        %dma_start3A_34 = arith.constant 0 : i32
        %dma_start3A_35 = tpu.memref_slice %arg7[%dma_start3A_33, %dma_start3A_34] : memref<128x128xi32, #tpu.memory_space<vmem>> -> memref<128x128xi32, #tpu.memory_space<vmem>>
        %dma_start3A_36 = arith.constant 0 : i32
        %dma_start3A_37 = tpu.memref_slice %arg3[%mul3A_24, %dma_start3A_36] : memref<2560x128xi32, #tpu.memory_space<hbm>> -> memref<128x128xi32, #tpu.memory_space<hbm>>
        tpu.enqueue_dma source(%dma_start3A_37 : memref<128x128xi32, #tpu.memory_space<hbm>>) target(%dma_start3A_35 : memref<128x128xi32, #tpu.memory_space<vmem>>) target_semaphore(%run_scoped3A : memref<!tpu.dma_semaphore, #tpu.memory_space<semaphore_mem>>)
        %dma_wait3A = arith.constant 0 : i32
        %dma_wait3A_38 = arith.constant 0 : i32
        %dma_wait3A_39 = tpu.memref_slice %arg7[%dma_wait3A, %dma_wait3A_38] : memref<128x128xi32, #tpu.memory_space<vmem>> -> memref<128x128xi32, #tpu.memory_space<vmem>>
        %dma_wait3A_40 = arith.constant 0 : i32
        %dma_wait3A_41 = tpu.memref_slice %arg3[%mul3A_24, %dma_wait3A_40] : memref<2560x128xi32, #tpu.memory_space<hbm>> -> memref<128x128xi32, #tpu.memory_space<hbm>>
        %dma_wait3A_42 = arith.constant 0 : i32
        %dma_wait3A_43 = arith.constant 0 : i32
        %dma_wait3A_44 = tpu.memref_slice %arg7[%dma_wait3A_42, %dma_wait3A_43] : memref<128x128xi32, #tpu.memory_space<vmem>> -> memref<128x128xi32, #tpu.memory_space<vmem>>
        %dma_wait3A_45 = arith.constant 0 : i32
        %dma_wait3A_46 = tpu.memref_slice %arg3[%mul3A_24, %dma_wait3A_45] : memref<2560x128xi32, #tpu.memory_space<hbm>> -> memref<128x128xi32, #tpu.memory_space<hbm>>
        tpu.wait_dma2 semaphore(%run_scoped3A : memref<!tpu.dma_semaphore, #tpu.memory_space<semaphore_mem>>) src(%dma_wait3A_46 : memref<128x128xi32, #tpu.memory_space<hbm>>) dst(%dma_wait3A_44 : memref<128x128xi32, #tpu.memory_space<vmem>>)
        tpu.yield
      }) : () -> ()
      %scan3A = arith.constant 0 : i32
      %scan3A_25 = arith.constant 128 : i32
      %scan3A_26 = arith.addi %scan3A, %scan3A_25 : i32
      %scan3A_27 = arith.constant 1 : i32
      scf.for %scan3A_29 = %scan3A to %scan3A_26 step %scan3A_27  : i32 {
        %mul3A_30 = arith.constant 1 : i32
        %mul3A_31 = arith.muli %scan3A_29, %mul3A_30 : i32
        %add3A = arith.constant 0 : i32
        %add3A_32 = arith.addi %add3A, %mul3A_31 : i32
        %dma_start3A = arith.constant 0 : i32
        %dma_start3A_33 = tpu.memref_slice %arg6[%add3A_32, %dma_start3A] : memref<128x128xi32, #tpu.memory_space<vmem>> -> memref<1x128xi32, #tpu.memory_space<vmem>>
        %dma_start3A_34 = tpu.memref_squeeze %dma_start3A_33 : memref<1x128xi32, #tpu.memory_space<vmem>> -> memref<128xi32, #tpu.memory_space<vmem>>
        %dma_start3A_35 = arith.constant 0 : i32
        %dma_start3A_36 = arith.constant 0 : i32
        %dma_start3A_37 = tpu.memref_slice %arg4[%dma_start3A_35, %dma_start3A_36] : memref<10112x128xf32, #tpu.memory_space<hbm>> -> memref<10112x128xf32, #tpu.memory_space<hbm>>
        tpu.enqueue_indirect_dma source(%dma_start3A_37 : memref<10112x128xf32, #tpu.memory_space<hbm>>) target(%arg8 : memref<128x128xf32, #tpu.memory_space<vmem>>) offsets(%dma_start3A_34 : memref<128xi32, #tpu.memory_space<vmem>>) semaphore(%arg10 : memref<!tpu.dma_semaphore, #tpu.memory_space<semaphore_mem>>)
        %dma_wait3A = arith.constant 0 : i32
        %dma_wait3A_38 = tpu.memref_slice %arg6[%add3A_32, %dma_wait3A] : memref<128x128xi32, #tpu.memory_space<vmem>> -> memref<1x128xi32, #tpu.memory_space<vmem>>
        %dma_wait3A_39 = tpu.memref_squeeze %dma_wait3A_38 : memref<1x128xi32, #tpu.memory_space<vmem>> -> memref<128xi32, #tpu.memory_space<vmem>>
        %dma_wait3A_40 = arith.constant 0 : i32
        %dma_wait3A_41 = arith.constant 0 : i32
        %dma_wait3A_42 = tpu.memref_slice %arg4[%dma_wait3A_40, %dma_wait3A_41] : memref<10112x128xf32, #tpu.memory_space<hbm>> -> memref<10112x128xf32, #tpu.memory_space<hbm>>
        tpu.wait_indirect_dma semaphore(%arg10 : memref<!tpu.dma_semaphore, #tpu.memory_space<semaphore_mem>>) src(%dma_wait3A_42 : memref<10112x128xf32, #tpu.memory_space<hbm>>) dst(%arg8 : memref<128x128xf32, #tpu.memory_space<vmem>>)
        "tpu.region"() ({
          %run_scoped3A = tpu.sem_alloc : memref<!tpu.dma_semaphore, #tpu.memory_space<semaphore_mem>>
          %dma_start3A_43 = arith.constant 0 : i32
          %dma_start3A_44 = tpu.memref_slice %arg7[%add3A_32, %dma_start3A_43] : memref<128x128xi32, #tpu.memory_space<vmem>> -> memref<1x128xi32, #tpu.memory_space<vmem>>
          %dma_start3A_45 = tpu.memref_squeeze %dma_start3A_44 : memref<1x128xi32, #tpu.memory_space<vmem>> -> memref<128xi32, #tpu.memory_space<vmem>>
          %dma_start3A_46 = arith.constant 0 : i32
          %dma_start3A_47 = arith.constant 0 : i32
          %dma_start3A_48 = tpu.memref_slice %arg9[%dma_start3A_46, %dma_start3A_47] : memref<10112x128xf32, #tpu.memory_space<vmem_shared>> -> memref<10112x128xf32, #tpu.memory_space<vmem_shared>>
          tpu.enqueue_indirect_dma source(%arg8 : memref<128x128xf32, #tpu.memory_space<vmem>>) target(%dma_start3A_48 : memref<10112x128xf32, #tpu.memory_space<vmem_shared>>) offsets(%dma_start3A_45 : memref<128xi32, #tpu.memory_space<vmem>>) semaphore(%run_scoped3A : memref<!tpu.dma_semaphore, #tpu.memory_space<semaphore_mem>>) {add = true}
          %dma_wait3A_49 = arith.constant 0 : i32
          %dma_wait3A_50 = tpu.memref_slice %arg7[%add3A_32, %dma_wait3A_49] : memref<128x128xi32, #tpu.memory_space<vmem>> -> memref<1x128xi32, #tpu.memory_space<vmem>>
          %dma_wait3A_51 = tpu.memref_squeeze %dma_wait3A_50 : memref<1x128xi32, #tpu.memory_space<vmem>> -> memref<128xi32, #tpu.memory_space<vmem>>
          %dma_wait3A_52 = arith.constant 0 : i32
          %dma_wait3A_53 = arith.constant 0 : i32
          %dma_wait3A_54 = tpu.memref_slice %arg9[%dma_wait3A_52, %dma_wait3A_53] : memref<10112x128xf32, #tpu.memory_space<vmem_shared>> -> memref<10112x128xf32, #tpu.memory_space<vmem_shared>>
          tpu.wait_indirect_dma semaphore(%run_scoped3A : memref<!tpu.dma_semaphore, #tpu.memory_space<semaphore_mem>>) src(%arg8 : memref<128x128xf32, #tpu.memory_space<vmem>>) dst(%dma_wait3A_54 : memref<10112x128xf32, #tpu.memory_space<vmem_shared>>)
          tpu.yield
        }) : () -> ()
      }
      %scan3A_28 = arith.constant 128 : i32
    } else {
    }
    %eq3A_13 = arith.constant 1 : i32
    %eq3A_14 = arith.cmpi eq, %arg0, %eq3A_13 : i32
    %convert_element_type3A_15 = arith.extui %eq3A_14 : i1 to i32
    %cond3A_16 = arith.constant 0 : i32
    %cond3A_17 = arith.cmpi ne, %convert_element_type3A_15, %cond3A_16 : i32
    scf.if %cond3A_17 {
      %mul3A_23 = arith.constant 32 : i32
      %mul3A_24 = arith.muli %arg1, %mul3A_23 : i32
      %add3A = arith.constant 2048 : i32
      %add3A_25 = arith.addi %add3A, %mul3A_24 : i32
      "tpu.region"() ({
        %run_scoped3A = tpu.sem_alloc : memref<!tpu.dma_semaphore, #tpu.memory_space<semaphore_mem>>
        %dma_start3A = arith.constant 0 : i32
        %dma_start3A_30 = arith.constant 0 : i32
        %dma_start3A_31 = tpu.memref_slice %arg6[%dma_start3A, %dma_start3A_30] : memref<128x128xi32, #tpu.memory_space<vmem>> -> memref<32x128xi32, #tpu.memory_space<vmem>>
        %dma_start3A_32 = arith.constant 0 : i32
        %dma_start3A_33 = tpu.memref_slice %arg2[%add3A_25, %dma_start3A_32] : memref<2560x128xi32, #tpu.memory_space<hbm>> -> memref<32x128xi32, #tpu.memory_space<hbm>>
        %dma_start3A_34 = arith.constant 0 : i32
        %dma_start3A_35 = arith.constant 0 : i32
        %dma_start3A_36 = tpu.memref_slice %arg6[%dma_start3A_34, %dma_start3A_35] : memref<128x128xi32, #tpu.memory_space<vmem>> -> memref<32x128xi32, #tpu.memory_space<vmem>>
        %dma_start3A_37 = arith.constant 0 : i32
        %dma_start3A_38 = tpu.memref_slice %arg2[%add3A_25, %dma_start3A_37] : memref<2560x128xi32, #tpu.memory_space<hbm>> -> memref<32x128xi32, #tpu.memory_space<hbm>>
        tpu.enqueue_dma source(%dma_start3A_38 : memref<32x128xi32, #tpu.memory_space<hbm>>) target(%dma_start3A_36 : memref<32x128xi32, #tpu.memory_space<vmem>>) target_semaphore(%run_scoped3A : memref<!tpu.dma_semaphore, #tpu.memory_space<semaphore_mem>>)
        %dma_wait3A = arith.constant 0 : i32
        %dma_wait3A_39 = arith.constant 0 : i32
        %dma_wait3A_40 = tpu.memref_slice %arg6[%dma_wait3A, %dma_wait3A_39] : memref<128x128xi32, #tpu.memory_space<vmem>> -> memref<32x128xi32, #tpu.memory_space<vmem>>
        %dma_wait3A_41 = arith.constant 0 : i32
        %dma_wait3A_42 = tpu.memref_slice %arg2[%add3A_25, %dma_wait3A_41] : memref<2560x128xi32, #tpu.memory_space<hbm>> -> memref<32x128xi32, #tpu.memory_space<hbm>>
        %dma_wait3A_43 = arith.constant 0 : i32
        %dma_wait3A_44 = arith.constant 0 : i32
        %dma_wait3A_45 = tpu.memref_slice %arg6[%dma_wait3A_43, %dma_wait3A_44] : memref<128x128xi32, #tpu.memory_space<vmem>> -> memref<32x128xi32, #tpu.memory_space<vmem>>
        %dma_wait3A_46 = arith.constant 0 : i32
        %dma_wait3A_47 = tpu.memref_slice %arg2[%add3A_25, %dma_wait3A_46] : memref<2560x128xi32, #tpu.memory_space<hbm>> -> memref<32x128xi32, #tpu.memory_space<hbm>>
        tpu.wait_dma2 semaphore(%run_scoped3A : memref<!tpu.dma_semaphore, #tpu.memory_space<semaphore_mem>>) src(%dma_wait3A_47 : memref<32x128xi32, #tpu.memory_space<hbm>>) dst(%dma_wait3A_45 : memref<32x128xi32, #tpu.memory_space<vmem>>)
        tpu.yield
      }) : () -> ()
      "tpu.region"() ({
        %run_scoped3A = tpu.sem_alloc : memref<!tpu.dma_semaphore, #tpu.memory_space<semaphore_mem>>
        %dma_start3A = arith.constant 0 : i32
        %dma_start3A_30 = arith.constant 0 : i32
        %dma_start3A_31 = tpu.memref_slice %arg7[%dma_start3A, %dma_start3A_30] : memref<128x128xi32, #tpu.memory_space<vmem>> -> memref<32x128xi32, #tpu.memory_space<vmem>>
        %dma_start3A_32 = arith.constant 0 : i32
        %dma_start3A_33 = tpu.memref_slice %arg3[%add3A_25, %dma_start3A_32] : memref<2560x128xi32, #tpu.memory_space<hbm>> -> memref<32x128xi32, #tpu.memory_space<hbm>>
        %dma_start3A_34 = arith.constant 0 : i32
        %dma_start3A_35 = arith.constant 0 : i32
        %dma_start3A_36 = tpu.memref_slice %arg7[%dma_start3A_34, %dma_start3A_35] : memref<128x128xi32, #tpu.memory_space<vmem>> -> memref<32x128xi32, #tpu.memory_space<vmem>>
        %dma_start3A_37 = arith.constant 0 : i32
        %dma_start3A_38 = tpu.memref_slice %arg3[%add3A_25, %dma_start3A_37] : memref<2560x128xi32, #tpu.memory_space<hbm>> -> memref<32x128xi32, #tpu.memory_space<hbm>>
        tpu.enqueue_dma source(%dma_start3A_38 : memref<32x128xi32, #tpu.memory_space<hbm>>) target(%dma_start3A_36 : memref<32x128xi32, #tpu.memory_space<vmem>>) target_semaphore(%run_scoped3A : memref<!tpu.dma_semaphore, #tpu.memory_space<semaphore_mem>>)
        %dma_wait3A = arith.constant 0 : i32
        %dma_wait3A_39 = arith.constant 0 : i32
        %dma_wait3A_40 = tpu.memref_slice %arg7[%dma_wait3A, %dma_wait3A_39] : memref<128x128xi32, #tpu.memory_space<vmem>> -> memref<32x128xi32, #tpu.memory_space<vmem>>
        %dma_wait3A_41 = arith.constant 0 : i32
        %dma_wait3A_42 = tpu.memref_slice %arg3[%add3A_25, %dma_wait3A_41] : memref<2560x128xi32, #tpu.memory_space<hbm>> -> memref<32x128xi32, #tpu.memory_space<hbm>>
        %dma_wait3A_43 = arith.constant 0 : i32
        %dma_wait3A_44 = arith.constant 0 : i32
        %dma_wait3A_45 = tpu.memref_slice %arg7[%dma_wait3A_43, %dma_wait3A_44] : memref<128x128xi32, #tpu.memory_space<vmem>> -> memref<32x128xi32, #tpu.memory_space<vmem>>
        %dma_wait3A_46 = arith.constant 0 : i32
        %dma_wait3A_47 = tpu.memref_slice %arg3[%add3A_25, %dma_wait3A_46] : memref<2560x128xi32, #tpu.memory_space<hbm>> -> memref<32x128xi32, #tpu.memory_space<hbm>>
        tpu.wait_dma2 semaphore(%run_scoped3A : memref<!tpu.dma_semaphore, #tpu.memory_space<semaphore_mem>>) src(%dma_wait3A_47 : memref<32x128xi32, #tpu.memory_space<hbm>>) dst(%dma_wait3A_45 : memref<32x128xi32, #tpu.memory_space<vmem>>)
        tpu.yield
      }) : () -> ()
      %scan3A = arith.constant 0 : i32
      %scan3A_26 = arith.constant 32 : i32
      %scan3A_27 = arith.addi %scan3A, %scan3A_26 : i32
      %scan3A_28 = arith.constant 1 : i32
      scf.for %scan3A_30 = %scan3A to %scan3A_27 step %scan3A_28  : i32 {
        %mul3A_31 = arith.constant 1 : i32
        %mul3A_32 = arith.muli %scan3A_30, %mul3A_31 : i32
        %add3A_33 = arith.constant 0 : i32
        %add3A_34 = arith.addi %add3A_33, %mul3A_32 : i32
        %dma_start3A = arith.constant 0 : i32
        %dma_start3A_35 = tpu.memref_slice %arg6[%add3A_34, %dma_start3A] : memref<128x128xi32, #tpu.memory_space<vmem>> -> memref<1x128xi32, #tpu.memory_space<vmem>>
        %dma_start3A_36 = tpu.memref_squeeze %dma_start3A_35 : memref<1x128xi32, #tpu.memory_space<vmem>> -> memref<128xi32, #tpu.memory_space<vmem>>
        %dma_start3A_37 = arith.constant 0 : i32
        %dma_start3A_38 = arith.constant 0 : i32
        %dma_start3A_39 = tpu.memref_slice %arg4[%dma_start3A_37, %dma_start3A_38] : memref<10112x128xf32, #tpu.memory_space<hbm>> -> memref<10112x128xf32, #tpu.memory_space<hbm>>
        tpu.enqueue_indirect_dma source(%dma_start3A_39 : memref<10112x128xf32, #tpu.memory_space<hbm>>) target(%arg8 : memref<128x128xf32, #tpu.memory_space<vmem>>) offsets(%dma_start3A_36 : memref<128xi32, #tpu.memory_space<vmem>>) semaphore(%arg10 : memref<!tpu.dma_semaphore, #tpu.memory_space<semaphore_mem>>)
        %dma_wait3A = arith.constant 0 : i32
        %dma_wait3A_40 = tpu.memref_slice %arg6[%add3A_34, %dma_wait3A] : memref<128x128xi32, #tpu.memory_space<vmem>> -> memref<1x128xi32, #tpu.memory_space<vmem>>
        %dma_wait3A_41 = tpu.memref_squeeze %dma_wait3A_40 : memref<1x128xi32, #tpu.memory_space<vmem>> -> memref<128xi32, #tpu.memory_space<vmem>>
        %dma_wait3A_42 = arith.constant 0 : i32
        %dma_wait3A_43 = arith.constant 0 : i32
        %dma_wait3A_44 = tpu.memref_slice %arg4[%dma_wait3A_42, %dma_wait3A_43] : memref<10112x128xf32, #tpu.memory_space<hbm>> -> memref<10112x128xf32, #tpu.memory_space<hbm>>
        tpu.wait_indirect_dma semaphore(%arg10 : memref<!tpu.dma_semaphore, #tpu.memory_space<semaphore_mem>>) src(%dma_wait3A_44 : memref<10112x128xf32, #tpu.memory_space<hbm>>) dst(%arg8 : memref<128x128xf32, #tpu.memory_space<vmem>>)
        "tpu.region"() ({
          %run_scoped3A = tpu.sem_alloc : memref<!tpu.dma_semaphore, #tpu.memory_space<semaphore_mem>>
          %dma_start3A_45 = arith.constant 0 : i32
          %dma_start3A_46 = tpu.memref_slice %arg7[%add3A_34, %dma_start3A_45] : memref<128x128xi32, #tpu.memory_space<vmem>> -> memref<1x128xi32, #tpu.memory_space<vmem>>
          %dma_start3A_47 = tpu.memref_squeeze %dma_start3A_46 : memref<1x128xi32, #tpu.memory_space<vmem>> -> memref<128xi32, #tpu.memory_space<vmem>>
          %dma_start3A_48 = arith.constant 0 : i32
          %dma_start3A_49 = arith.constant 0 : i32
          %dma_start3A_50 = tpu.memref_slice %arg9[%dma_start3A_48, %dma_start3A_49] : memref<10112x128xf32, #tpu.memory_space<vmem_shared>> -> memref<10112x128xf32, #tpu.memory_space<vmem_shared>>
          tpu.enqueue_indirect_dma source(%arg8 : memref<128x128xf32, #tpu.memory_space<vmem>>) target(%dma_start3A_50 : memref<10112x128xf32, #tpu.memory_space<vmem_shared>>) offsets(%dma_start3A_47 : memref<128xi32, #tpu.memory_space<vmem>>) semaphore(%run_scoped3A : memref<!tpu.dma_semaphore, #tpu.memory_space<semaphore_mem>>) {add = true}
          %dma_wait3A_51 = arith.constant 0 : i32
          %dma_wait3A_52 = tpu.memref_slice %arg7[%add3A_34, %dma_wait3A_51] : memref<128x128xi32, #tpu.memory_space<vmem>> -> memref<1x128xi32, #tpu.memory_space<vmem>>
          %dma_wait3A_53 = tpu.memref_squeeze %dma_wait3A_52 : memref<1x128xi32, #tpu.memory_space<vmem>> -> memref<128xi32, #tpu.memory_space<vmem>>
          %dma_wait3A_54 = arith.constant 0 : i32
          %dma_wait3A_55 = arith.constant 0 : i32
          %dma_wait3A_56 = tpu.memref_slice %arg9[%dma_wait3A_54, %dma_wait3A_55] : memref<10112x128xf32, #tpu.memory_space<vmem_shared>> -> memref<10112x128xf32, #tpu.memory_space<vmem_shared>>
          tpu.wait_indirect_dma semaphore(%run_scoped3A : memref<!tpu.dma_semaphore, #tpu.memory_space<semaphore_mem>>) src(%arg8 : memref<128x128xf32, #tpu.memory_space<vmem>>) dst(%dma_wait3A_56 : memref<10112x128xf32, #tpu.memory_space<vmem_shared>>)
          tpu.yield
        }) : () -> ()
      }
      %scan3A_29 = arith.constant 32 : i32
    } else {
    }
    %barrier3A_18 = arith.constant 0 : index
    tpu.barrier barrier_id(%barrier3A_18)
    %mul3A_19 = arith.constant 632 : i32
    %mul3A_20 = arith.muli %arg1, %mul3A_19 : i32
    %mul3A_21 = arith.constant 632 : i32
    %mul3A_22 = arith.muli %arg1, %mul3A_21 : i32
    "tpu.region"() ({
      %run_scoped3A = tpu.sem_alloc : memref<!tpu.dma_semaphore, #tpu.memory_space<semaphore_mem>>
      %dma_start3A = arith.constant 0 : i32
      %dma_start3A_23 = arith.constant 0 : i32
      %dma_start3A_24 = tpu.memref_slice %arg5[%arg0, %dma_start3A, %dma_start3A_23] : memref<2x10112x128xf32, #tpu.memory_space<hbm>> -> memref<1x10112x128xf32, #tpu.memory_space<hbm>>
      %dma_start3A_25 = tpu.memref_squeeze %dma_start3A_24 : memref<1x10112x128xf32, #tpu.memory_space<hbm>> -> memref<10112x128xf32, #tpu.memory_space<hbm>>
      %dma_start3A_26 = arith.constant 0 : i32
      %dma_start3A_27 = tpu.memref_slice %dma_start3A_25[%mul3A_22, %dma_start3A_26] : memref<10112x128xf32, #tpu.memory_space<hbm>> -> memref<632x128xf32, #tpu.memory_space<hbm>>
      %dma_start3A_28 = arith.constant 0 : i32
      %dma_start3A_29 = tpu.memref_slice %arg9[%mul3A_20, %dma_start3A_28] : memref<10112x128xf32, #tpu.memory_space<vmem_shared>> -> memref<632x128xf32, #tpu.memory_space<vmem_shared>>
      tpu.enqueue_dma source(%dma_start3A_29 : memref<632x128xf32, #tpu.memory_space<vmem_shared>>) target(%dma_start3A_27 : memref<632x128xf32, #tpu.memory_space<hbm>>) target_semaphore(%run_scoped3A : memref<!tpu.dma_semaphore, #tpu.memory_space<semaphore_mem>>)
      %dma_wait3A = arith.constant 0 : i32
      %dma_wait3A_30 = arith.constant 0 : i32
      %dma_wait3A_31 = tpu.memref_slice %arg5[%arg0, %dma_wait3A, %dma_wait3A_30] : memref<2x10112x128xf32, #tpu.memory_space<hbm>> -> memref<1x10112x128xf32, #tpu.memory_space<hbm>>
      %dma_wait3A_32 = tpu.memref_squeeze %dma_wait3A_31 : memref<1x10112x128xf32, #tpu.memory_space<hbm>> -> memref<10112x128xf32, #tpu.memory_space<hbm>>
      %dma_wait3A_33 = arith.constant 0 : i32
      %dma_wait3A_34 = tpu.memref_slice %dma_wait3A_32[%mul3A_22, %dma_wait3A_33] : memref<10112x128xf32, #tpu.memory_space<hbm>> -> memref<632x128xf32, #tpu.memory_space<hbm>>
      %dma_wait3A_35 = arith.constant 0 : i32
      %dma_wait3A_36 = tpu.memref_slice %arg9[%mul3A_20, %dma_wait3A_35] : memref<10112x128xf32, #tpu.memory_space<vmem_shared>> -> memref<632x128xf32, #tpu.memory_space<vmem_shared>>
      tpu.wait_dma2 semaphore(%run_scoped3A : memref<!tpu.dma_semaphore, #tpu.memory_space<semaphore_mem>>) src(%dma_wait3A_36 : memref<632x128xf32, #tpu.memory_space<vmem_shared>>) dst(%dma_wait3A_34 : memref<632x128xf32, #tpu.memory_space<hbm>>)
      tpu.yield
    }) : () -> ()
    return
  }
}

module attributes {stable_mosaic.version = 14 : i64} {
  func.func @_mlp_body(%arg0: i32, %arg1: memref<2x1000x128xf32, #tpu.memory_space<vmem>>, %arg2: memref<128x128xf32, #tpu.memory_space<vmem>>, %arg3: memref<1x128xf32, #tpu.memory_space<vmem>>, %arg4: memref<128x128xf32, #tpu.memory_space<vmem>>, %arg5: memref<1x128xf32, #tpu.memory_space<vmem>>, %arg6: memref<1000x128xf32, #tpu.memory_space<vmem>>) attributes {dimension_semantics = [#tpu.dimension_semantics<arbitrary>], iteration_bounds = array<i64: 10>, scalar_prefetch = 0 : i64, scratch_operands = 0 : i64, tpu.core_type = #tpu.core_type<tc>, window_params = [{transform_indices = @transform_0, window_bounds = array<i64: 2, 1000, 128>}, {pipeline_mode = #tpu.pipeline_mode<synchronous>, transform_indices = @transform_1, window_bounds = array<i64: 128, 128>}, {pipeline_mode = #tpu.pipeline_mode<synchronous>, transform_indices = @transform_2, window_bounds = array<i64: 1, 128>}, {pipeline_mode = #tpu.pipeline_mode<synchronous>, transform_indices = @transform_3, window_bounds = array<i64: 128, 128>}, {pipeline_mode = #tpu.pipeline_mode<synchronous>, transform_indices = @transform_4, window_bounds = array<i64: 1, 128>}, {transform_indices = @transform_5, window_bounds = array<i64: 1000, 128>}]} {
    %get3A = arith.constant 0 : index
    %get3A_0 = arith.constant 0 : index
    %get3A_1 = arith.constant 0 : index
    %get3A_2 = vector.load %arg1[%get3A, %get3A_0, %get3A_1] : memref<2x1000x128xf32, #tpu.memory_space<vmem>>, vector<1x1000x128xf32>
    %get3A_3 = vector.shape_cast %get3A_2 : vector<1x1000x128xf32> to vector<1000x128xf32>
    %get3A_4 = arith.constant 1 : index
    %get3A_5 = arith.constant 0 : index
    %get3A_6 = arith.constant 0 : index
    %get3A_7 = vector.load %arg1[%get3A_4, %get3A_5, %get3A_6] : memref<2x1000x128xf32, #tpu.memory_space<vmem>>, vector<1x1000x128xf32>
    %get3A_8 = vector.shape_cast %get3A_7 : vector<1x1000x128xf32> to vector<1000x128xf32>
    %add3A = arith.addf %get3A_3, %get3A_8 : vector<1000x128xf32>
    %get3A_9 = arith.constant 0 : index
    %get3A_10 = arith.constant 0 : index
    %get3A_11 = vector.load %arg2[%get3A_9, %get3A_10] : memref<128x128xf32, #tpu.memory_space<vmem>>, vector<128x128xf32>
    %dot_general3A = arith.constant dense<0.000000e+00> : vector<1000x128xf32>
    %dot_general3A_12 = tpu.matmul %add3A, %get3A_11, %dot_general3A {dimension_numbers = #tpu.dot_dimension_numbers<[1], [0], [0], [1], [0, 0, 1, 1], [], []>, transpose_lhs_hint = false} : vector<1000x128xf32>, vector<128x128xf32>, vector<1000x128xf32> -> vector<1000x128xf32>
    %get3A_13 = arith.constant 0 : index
    %get3A_14 = arith.constant 0 : index
    %get3A_15 = vector.load %arg3[%get3A_13, %get3A_14] : memref<1x128xf32, #tpu.memory_space<vmem>>, vector<1x128xf32>
    %add3A_16 = vector.broadcast %get3A_15 : vector<1x128xf32> to vector<1000x128xf32>
    %add3A_17 = arith.addf %dot_general3A_12, %add3A_16 : vector<1000x128xf32>
    %max3A = arith.constant 0.000000e+00 : f32
    %max3A_18 = vector.broadcast %max3A : f32 to vector<1000x128xf32>
    %max3A_19 = arith.maximumf %add3A_17, %max3A_18 : vector<1000x128xf32>
    %get3A_20 = arith.constant 0 : index
    %get3A_21 = arith.constant 0 : index
    %get3A_22 = vector.load %arg4[%get3A_20, %get3A_21] : memref<128x128xf32, #tpu.memory_space<vmem>>, vector<128x128xf32>
    %dot_general3A_23 = arith.constant dense<0.000000e+00> : vector<1000x128xf32>
    %dot_general3A_24 = tpu.matmul %max3A_19, %get3A_22, %dot_general3A_23 {dimension_numbers = #tpu.dot_dimension_numbers<[1], [0], [0], [1], [0, 0, 1, 1], [], []>, transpose_lhs_hint = false} : vector<1000x128xf32>, vector<128x128xf32>, vector<1000x128xf32> -> vector<1000x128xf32>
    %get3A_25 = arith.constant 0 : index
    %get3A_26 = arith.constant 0 : index
    %get3A_27 = vector.load %arg5[%get3A_25, %get3A_26] : memref<1x128xf32, #tpu.memory_space<vmem>>, vector<1x128xf32>
    %add3A_28 = vector.broadcast %get3A_27 : vector<1x128xf32> to vector<1000x128xf32>
    %add3A_29 = arith.addf %dot_general3A_24, %add3A_28 : vector<1000x128xf32>
    %swap3A = arith.constant 0 : index
    %swap3A_30 = arith.constant 0 : index
    %swap3A_31 = vector.load %arg6[%swap3A, %swap3A_30] : memref<1000x128xf32, #tpu.memory_space<vmem>>, vector<1000x128xf32>
    tpu.vector_store %arg6[%swap3A, %swap3A_30], %add3A_29 {strides = array<i32>} : memref<1000x128xf32, #tpu.memory_space<vmem>>, vector<1000x128xf32>,
    return
  }
  func.func @transform_0(%arg0: i32) -> (i32, i32, i32) {
    %c0_i32 = arith.constant 0 : i32
    %c0_i32_0 = arith.constant 0 : i32
    %c0_i32_1 = arith.constant 0 : i32
    return %c0_i32, %arg0, %c0_i32_0 : i32, i32, i32
  }
  func.func @transform_1(%arg0: i32) -> (i32, i32) {
    %c0_i32 = arith.constant 0 : i32
    %c0_i32_0 = arith.constant 0 : i32
    %c0_i32_1 = arith.constant 0 : i32
    return %c0_i32, %c0_i32_0 : i32, i32
  }
  func.func @transform_2(%arg0: i32) -> (i32, i32) {
    %c0_i32 = arith.constant 0 : i32
    %c0_i32_0 = arith.constant 0 : i32
    %c0_i32_1 = arith.constant 0 : i32
    return %c0_i32, %c0_i32_0 : i32, i32
  }
  func.func @transform_3(%arg0: i32) -> (i32, i32) {
    %c0_i32 = arith.constant 0 : i32
    %c0_i32_0 = arith.constant 0 : i32
    %c0_i32_1 = arith.constant 0 : i32
    return %c0_i32, %c0_i32_0 : i32, i32
  }
  func.func @transform_4(%arg0: i32) -> (i32, i32) {
    %c0_i32 = arith.constant 0 : i32
    %c0_i32_0 = arith.constant 0 : i32
    %c0_i32_1 = arith.constant 0 : i32
    return %c0_i32, %c0_i32_0 : i32, i32
  }
  func.func @transform_5(%arg0: i32) -> (i32, i32) {
    %c0_i32 = arith.constant 0 : i32
    %c0_i32_0 = arith.constant 0 : i32
    return %arg0, %c0_i32 : i32, i32
  }
}

</mosaic_0001>

<sc_bundles>
// kernel: kernel.4.cloned.1.call-start
scs
__scs_entry_jumppad:
0x0: {  	(pc) =	sbr.rel $0x88, $3  }
0x1: {  	(tag) =	ssettag $0x0;
	lr =	simm.s32 $0x1  }
0x2: {  	[smem:$0x3F9B] =	sst lr;
	_ =	strace $0xD0000000  }
0x3: {  	_ = 	snop  }
0x4: {  	_ = 	snop  }
0x5: {  	_ = 	snop  }
0x6: {  	_ = 	snop  }
0x7: {  	_ = 	snop  }
__scs_overlays_trampoline_lowered:
0x8: {  	[smem:$0x3FAA] =	sst s0  }
0x9: {  	[smem:$0x3FAB] =	sst s1  }
0xa: {  	[smem:$0x3FAC] =	sst s2  }
0xb: {  	[smem:$0x3FAD] =	sst s3  }
0xc: {  	[smem:$0x3FAE] =	sst s4  }
0xd: {  	[smem:$0x3FAF] =	sst s5  }
0xe: {  	[smem:$0x3FB0] =	sst s6  }
0xf: {  	[smem:$0x3FB1] =	sst s7  }
0x10: {  	[smem:$0x3FB2] =	sst s8  }
0x11: {  	[smem:$0x3FB3] =	sst s9;
	s0 =	simm.s32 @!p0 $0x0  }
0x12: {  	s1 =	sld [smem:$0x3F99];
	s0 =	simm.s32 @p0 $0x1  }
0x13: {  	[smem:$0x3FB4] =	sst s0;
	s0 =	simm.s32 @!p1 $0x0  }
0x14: {  	s2 =	sld [smem:$0x3F98];
	s0 =	simm.s32 @p1 $0x1  }
0x15: {  	[smem:$0x3FB5] =	sst s0;
	s0 =	simm.s32 @!p2 $0x0  }
0x16: {  	s3 =	sld [smem:$0x3FDB];
	s0 =	simm.s32 @p2 $0x1  }
0x17: {  	s4 =	simm.s32 $0x1BF5;
	[smem:$0x3FB7] =	sst s0  }
0x18: {  	s0 =	sld [smem:$0x3F9A];
	_ =	swait.ge [sflag:s4], $0x0  }
0x19: {  	s7 =	sld [smem:$0x3F9B]  }
0x1a: {  	s8 =	sadd.s32 $0xFFFFE003, lr  }
0x1b: {  	s9 =	sadd.s32 $0xFFFFFEF7, lr;
	s5 =	simm.s32 $0xFFFFFFFF;
	p2 =	slt.u32 s8, $0xFFFFF086  }
0x1c: {  	p1 =	slt.u32 s9, $0xF7A;
	s5 =	simm.s32 @!p2 $0x0  }
0x1d: {  	s5 =	simm.s32 @p1 $0x1;
	p0 =	seq.s32 s7, s2  }
0x1e: {  	s7 =	smul.u32 @!p0 $0xF7A, s2;
	p2 =	seq.s32 @!p0 s5, $0x0  }
0x1f: {  	s9 =	smul.u32 $0xF7A, s1;
	s8 =	simm.s32 @!p0 $0x1BF5;
	p2 =	por !p2, p0  }
0x20: {  	[sflag:s8] =	ssyncset.s32 @!p0 $0xFFFFF086;
	s6 =	sadd.s32 @!p0 s3, s7;
	s7 =	simm.s32 @!p0 $0x108  }
0x21: {  	s3 =	sadd.s32 s3, s9;
	s6 =	sadd.s32 @!p0 $0x88, s6;
	s7 =	simm.s32 @p2 $0x1082  }
0x22: {  	[simem:s7], [sflag:s8] =	dma.local @!p0 [hbm:s6], $0xF7A  }
0x23: {  	s9 =	sor.u32 $0xD0000000, s2;
	s6 =	simm.s32 $0x108;
	_ =	swait.ge @!p0 [sflag:s8], $0x0  }
0x24: {  	s3 =	sadd.s32 $0x88, s3;
	s6 =	simm.s32 @!p1 $0x1082;
	[sflag:s4] =	ssyncset.s32 $0xFFFFF086  }
0x25: {  	[simem:s6], [sflag:s4] =	dma.local [hbm:s3], $0xF7A  }
0x26: {  	[smem:$0x3F9B] =	sst s1;
	(tag) =	ssettag s2;
	_ =	strace s9  }
0x27: {  	s1 =	sld [smem:$0x3FAB]  }
0x28: {  	s2 =	sld [smem:$0x3FAC]  }
0x29: {  	s4 =	sld [smem:$0x3FAE]  }
0x2a: {  	p0 =	seq.s32 s5, $0x0;
	s5 =	sld [smem:$0x3FAF]  }
0x2b: {  	s6 =	sld [smem:$0x3FB0]  }
0x2c: {  	s7 =	sld [smem:$0x3FB1]  }
0x2d: {  	s3 =	simm.s32 $0x108;
	s8 =	sld [smem:$0x3FB2]  }
0x2e: {  	s3 =	simm.s32 @!p0 $0x1082;
	s9 =	sld [smem:$0x3FB3]  }
0x2f: {  	lr =	sadd.s32 s0, s3;
	s0 =	sld [smem:$0x3FAA]  }
0x30: {  	s3 =	sld [smem:$0x3FAD]  }
0x31: {  	[smem:$0x3FB6] =	sst s10  }
0x32: {  	s10 =	sld [smem:$0x3FB4];
	_ =	sdelay $0x3  }
0x33: {  	p0 =	seq.s32 s10, $0x1;
	s10 =	sld [smem:$0x3FB6];
	_ =	sdelay $0x3  }
0x34: {  	[smem:$0x3FB6] =	sst s10  }
0x35: {  	s10 =	sld [smem:$0x3FB5];
	_ =	sdelay $0x3  }
0x36: {  	p1 =	seq.s32 s10, $0x1;
	s10 =	sld [smem:$0x3FB6];
	_ =	sdelay $0x3  }
0x37: {  	[smem:$0x3FB6] =	sst s10  }
0x38: {  	s10 =	sld [smem:$0x3FB7]  }
0x39: {  	_ = 	snop;
	(pc) =	sbr.ind lr, $3  }
0x3a: {  	_ = 	snop  }
0x3b: {  	_ = 	snop  }
0x3c: {  	p2 =	seq.s32 s10, $0x1;
	s10 =	sld [smem:$0x3FB6]  }
0x3d: {  	_ =	shalt  }
0x3e: {  	_ =	shalt  }
0x3f: {  	_ =	shalt  }
0x40: {  	_ =	shalt  }
0x41: {  	_ =	shalt  }
0x42: {  	_ =	shalt  }
0x43: {  	_ =	shalt  }
0x44: {  	_ =	shalt  }
0x45: {  	_ =	shalt  }
0x46: {  	_ =	shalt  }
0x47: {  	_ =	shalt  }
0x48: {  	_ =	shalt  }
0x49: {  	_ =	shalt  }
0x4a: {  	_ =	shalt  }
0x4b: {  	_ =	shalt  }
0x4c: {  	_ =	shalt  }
0x4d: {  	_ =	shalt  }
0x4e: {  	_ =	shalt  }
0x4f: {  	_ =	shalt  }
0x50: {  	_ =	shalt  }
0x51: {  	_ =	shalt  }
0x52: {  	_ =	shalt  }
0x53: {  	_ =	shalt  }
0x54: {  	_ =	shalt  }
0x55: {  	_ =	shalt  }
0x56: {  	_ =	shalt  }
0x57: {  	_ =	shalt  }
0x58: {  	_ =	shalt  }
0x59: {  	_ =	shalt  }
0x5a: {  	_ =	shalt  }
0x5b: {  	_ =	shalt  }
0x5c: {  	_ =	shalt  }
0x5d: {  	_ =	shalt  }
0x5e: {  	_ =	shalt  }
0x5f: {  	_ =	shalt  }
0x60: {  	_ =	shalt  }
0x61: {  	_ =	shalt  }
0x62: {  	_ =	shalt  }
0x63: {  	_ =	shalt  }
0x64: {  	_ =	shalt  }
0x65: {  	_ =	shalt  }
0x66: {  	_ =	shalt  }
0x67: {  	_ =	shalt  }
0x68: {  	_ =	shalt  }
0x69: {  	_ =	shalt  }
0x6a: {  	_ =	shalt  }
0x6b: {  	_ =	shalt  }
0x6c: {  	_ =	shalt  }
0x6d: {  	_ =	shalt  }
0x6e: {  	_ =	shalt  }
0x6f: {  	_ =	shalt  }
0x70: {  	_ =	shalt  }
0x71: {  	_ =	shalt  }
0x72: {  	_ =	shalt  }
0x73: {  	_ =	shalt  }
0x74: {  	_ =	shalt  }
0x75: {  	_ =	shalt  }
0x76: {  	_ =	shalt  }
0x77: {  	_ =	shalt  }
0x78: {  	_ =	shalt  }
0x79: {  	_ =	shalt  }
0x7a: {  	_ =	shalt  }
0x7b: {  	_ =	shalt  }
0x7c: {  	_ =	shalt  }
0x7d: {  	_ =	shalt  }
0x7e: {  	_ =	shalt  }
0x7f: {  	_ =	shalt  }
0x80: {  	_ =	shalt  }
0x81: {  	_ =	shalt  }
0x82: {  	_ =	shalt  }
0x83: {  	_ =	shalt  }
0x84: {  	_ =	shalt  }
0x85: {  	_ =	shalt  }
0x86: {  	_ =	shalt  }
0x87: {  	_ =	shalt  }
.Lfunc_end0:
.L_simem_size_0:
called_computation_lowered:
.L_overlay_start_0:
0x88: {  	s2 =	sld [smem:$0x3FD9]  }
0x89: {  	s3 =	sld [smem:$0x3FFE];
	_ =	sdelay $0x1  }
0x8a: {  	s1 =	srdreg.scid  }
0x8b: {  	s0 =	sand.u32 $0x1, s1  }
0x8c: {  	s17 =	sshll.u32 s0, $0xA;
	s2 =	sadd.s32 s3, s2  }
0x8d: {  	s2 =	sadd.s32 s2, s17  }
0x8e: {  	[smem:$0x3FC2] =	sst s2  }
0x8f: {  	_ = 	snop  }
0x90: {  	s2 =	sld [smem:$0x3FD0];
	(tm) =	ssettm $0x1  }
0x91: {  	s18 =	sld [smem:$0x3FFB];
	_ =	sdelay $0x3  }
0x92: {  	_ =	strace s18  }
0x93: {  	s3 =	sld [smem:$0x3FFC];
	_ =	sdelay $0x3  }
0x94: {  	_ =	strace s3  }
0x95: {  	s3 =	sld [smem:$0x3FFD];
	_ =	sdelay $0x3  }
0x96: {  	_ =	strace s3  }
0x97: {  	_ =	strace $0x8FFFFFFF  }
0x98: {  	s19 =	sld [smem:$0x3FDB];
	_ =	sdelay $0x1  }
0x99: {  	s4 =	simm.s32 $_scs_section_size  }
0x9a: {  	s5 =	simm.s32 $_size__tile_overlayer_lowered;
	s6 =	simm.s32 $_tile_overlayer_lowered  }
0x9b: {  	s22 =	simm.s32 $0x1BFF;
	s21 =	sshll.u32 s6, $0x1;
	s3 =	sadd.s32 s4, s19  }
0x9c: {  	s7 =	simm.s32 $0x0;
	s20 =	sshll.u32 s5, $0x1;
	s5 =	sadd.s32 s21, s3  }
0x9d: {  	[timem:s7], [sflag:s22] =	dma.local [hbm:s5], s20  }
0x9e: {  	_ =	swait.ge [sflag:s22], s20  }
0x9f: {  	s4 =	ssub.s32 $0x0, s20;
	[sflag:s22] =	ssyncset.done $0x0  }
0xa0: {  	[sflag:s22] =	ssyncadd.s32 s4;
	_ =	sdelay $0x1  }
0xa1: {  	s23 =	simm.s32 $0x1B8B  }
0xa2: {  	_ =	swait.ge [sflag:s23], $0x1  }
0xa3: {  	[sflag:s23] =	ssyncset.done $0x0  }
0xa4: {  	s25 =	simm.s32 $0x1B8E;
	s24 =	sld [smem:$0x3FFE];
	[sflag:s23] =	ssyncadd.s32 $0xFFFFFFFF  }
0xa5: {  	s26 =	simm.s32 $execute0_lowered;
	[smem:$0x3FD2] =	sst s25  }
0xa6: {  	s5 =	sshll.u32 s26, $0x1;
	_ =	strace $0x80000046;
	[dreg:$0x1] =	wrdreg $0xFFFFFFFF  }
0xa7: {  	s28 =	simm.s32 $_size_execute0_lowered;
	s3 =	sadd.s32 s3, s5;
	[dreg:$0x0] =	wrdreg $0x0  }
0xa8: {  	s5 =	sshll.u32 s28, $0x1;
	[dreg:$0x2] =	wrdreg s3  }
0xa9: {  	[dreg:$0x3] =	wrdreg s5  }
0xaa: {  	[dreg:$0x4] =	wrdreg $0xC0  }
0xab: {  	_ =	task [dreg:s7], $0x5FFFF  }
0xac: {  	[dreg:$0x1] =	wrdreg $0xFFFFFFFF  }
0xad: {  	[dreg:$0x0] =	wrdreg $0x60  }
0xae: {  	[dreg:$0x2] =	wrdreg s24  }
0xaf: {  	[dreg:$0x3] =	wrdreg s2  }
0xb0: {  	[dreg:$0x4] =	wrdreg $0xC0000  }
0xb1: {  	[dreg:$0x5] =	wrdreg $0x9  }
0xb2: {  	_ =	task.clear_ibuf [dreg:s7], $0x6FFFF;
	_ =	strace $0x90000046  }
0xb3: {  	s29 =	simm.s32 $0x9;
	_ =	strace $0x80000048  }
0xb4: {  	_ =	swait.ge [sflag:s29], $0x1  }
0xb5: {  	[sflag:s29] =	ssyncadd.s32 $0xFFFFFFFF  }
0xb6: {  	_ =	strace $0x90000048  }
0xb7: {  	_ =	sfence  }
0xb8: {  	s30 =	sld [smem:$0x0];
	_ =	sdelay $0x2  }
0xb9: {  	s31 =	sshll.u32 s1, $0xD;
	s1 =	sshrl.u32 s1, $0x2  }
0xba: {  	s3 =	sand.u32 $0x4000, s31;
	s1 =	sadd.s32 s1, s30  }
0xbb: {  	s0 =	sor.u32 s3, s0;
	s1 =	sshll.u32 s1, $0x11  }
0xbc: {  	s0 =	sor.u32 s1, s0  }
0xbd: {  	s0 =	sadd.s32 $0x8F2B, s0  }
0xbe: {  	[sflag:s0] =	ssyncadd.remote.s32 $0x1  }
0xbf: {  	_ =	sfence.sel $0xFFFF  }
0xc0: {  	[dreg:$0x0] =	wrdreg $0xFFFFFFFF;
	(pc) =	sbr.abs _section_cstart, $3  }
0xc1: {  	[dreg:$0x1] =	wrdreg $0xFFFFFFFF  }
0xc2: {  	_ =	task.clear_ibuf [dreg:s7], $0x2FFFF;
	_ =	strace $0x9FFFFFFF  }
0xc3: {  	(tm) =	ssettm $0x7FFFFFFF  }
tec
execute0_lowered:
.L_overlay_start_1:
0x0: {  	(tag) =	ssettag $0x1  }
0x1: {  	s5 =	rddreg [dreg:$0x0]  }
0x2: {  	s14 =	rddreg [dreg:$0x1]  }
0x3: {  	s2 =	rddreg [dreg:$0x2]  }
0x4: {  	s0 =	rddreg [dreg:$0x3];
	s3 =	simm.s32 $0x0  }
0x5: {  	s4 =	srdreg.scid;
	s1 =	stileid.u32;
	s19 =	simm.s32 $0x4000  }
0x6: {  	s20 =	simm.s32 $0x80;
	s21 =	simm.s32 $0x8000;
	s22 =	simm.s32 $0x1  }
0x7: {  	[smem:$0x7FF] =	sst s3;
	s16 =	sand.u32 $0x1, s4;
	s6 =	smul.u32 $0x4F000, s1  }
0x8: {  	s13 =	sadd.s32 $0xA00, s5;
	s4 =	sadd.s32 $0xAA00, s5;
	s30 =	sshll.u32 s1, $0x9  }
0x9: {  	s23 =	smul.u32 $0x2780, s1;
	s18 =	sshll.u32 s1, $0xB;
	s31 =	sshll.u32 s1, $0x6  }
0xa: {  	_ =	strace $0x80000047;
	s7 =	smul.u32 $0x27800, s16;
	s8 =	ssub.s32 $0x2, s16  }
0xb: {  	s11 =	sor.u32 $0x8000, s30;
	p0 =	sne.s32 s16, $0x0;
	s16 =	sor.u32 $0x1C02, s31  }
0xc: {  	s6 =	sshrl.u32 s6, $0x2;
	s29 =	sshrl.u32 s8, $0x1;
	s10 =	sadd.s32 s13, s11  }
0xd: {  	s11 =	sadd.s32 s14, s11;
	s12 =	sadd.s32 s4, s23;
	s13 =	sadd.s32 s13, s18  }
.Ltmp0:
0xe: {  	s14 =	sadd.s32 s14, s18;
	s18 =	simm.s32 $0x2;
	(pc) =	sbr.rel .LBB2_1-.Ltmp0, $4  }
0xf: {  	s15 =	sadd.s32 s7, s5;
	s5 =	sadd.s32 s6, s2;
	s17 =	ssub.s32 s8, s29  }
0x10: {  	s6 =	sadd.s32 $0x4000, s5;
	s7 =	sadd.s32 $0x8000, s5;
	s8 =	sadd.s32 $0xC000, s5  }
0x11: {  	s9 =	sadd.s32 $0x10000, s5;
	s24 =	sadd.s32 $0x32200, s15;
	s15 =	smax.u32 s17, $0x1  }
0x12: {  	v0 =	vimm.f32 $0.0e+00;
	s17 =	sshrl.u32 s5, $0x3;
	s23 =	sadd.s32 s23, s24;
	s24 =	simm.s32 $0x0  }
.LBB2_9:
0x13: {  	s25 =	sshra.s32 s25, $0x2;
	[sflag:s18] =	ssyncadd.s32 $0xFFFFC000  }
0x14: {  	[tilespmem:s21], [sflag:$0x1] =	stream.indirect.gather [hbm4b:s4+s20], $0x80, s25, s20, $0xb8;
	[tilespmem:$0x1FC00] =	vst v63  }
0x15: {  	_ =	swait.ge [sflag:s22], $0x4000  }
0x16: {  	[sflag:s22] =	ssyncset.done $0x0  }
0x17: {  	s25 =	sadd.s32 $0x4000, s25;
	[sflag:s22] =	ssyncadd.s32 $0xFFFFC000  }
0x18: {  	[spmem:s2] =	stream.indirect.scatter.add.f32 [tilespmem:s21], [sflag:$0x2], $0x80, s25, s20, $0xb8;
	[tilespmem:$0x1FC00] =	vst v63  }
0x19: {  	_ =	swait.ge [sflag:s18], $0x4000  }
0x1a: {  	[sflag:s18] =	ssyncset.done $0x0  }
0x1b: {  	[sflag:s18] =	ssyncadd.s32 $0xFFFFC000  }
.LBB2_10:
0x1c: {  	s24 =	sadd.s32 $0x1, s24  }
0x1d: {  	p1 =	sne.s32 s24, s15  }
.Ltmp1:
0x1e: {  	[bflag:$0x0] =	sbarrier.arrive $0xFFFF;
	(pc) =	sbr.rel @!p1 .LBB2_11-.Ltmp1, $4  }
0x1f: {  	[hbm:s23], [sflag:s16] =	dma.local [spmem:s17], $0x2780  }
0x20: {  	_ =	swait.ge [sflag:s18], $0x2780  }
0x21: {  	[sflag:s18] =	ssyncset.done $0x0  }
0x22: {  	[sflag:s18] =	ssyncadd.s32 $0xFFFFD880  }
.LBB2_1:
.Ltmp2:
0x23: {  	(pc) =	sbr.rel @p0 .LBB2_5-.Ltmp2, $1  }
0x24: {  	_ =	sdelay $0x3  }
0x25: {  	[spmem:s17], [sflag:s16] =	dma.local [hbm:s12], $0x2780  }
0x26: {  	_ =	swait.ge [sflag:s18], $0x2780  }
0x27: {  	[sflag:s18] =	ssyncset.done $0x0  }
0x28: {  	[sflag:s18] =	ssyncadd.s32 $0xFFFFD880  }
0x29: {  	s25 =	simm.s32 $0x0;
	[bflag:$0x0] =	sbarrier.arrive $0xFFFF  }
0x2a: {  	[tilespmem:s25], [sflag:$0x2] =	stream.linear.gather [hbm4b:s13+s25], $0x4000, $0x38;
	[tilespmem:$0x1FC00] =	vst v63  }
0x2b: {  	_ =	swait.ge [sflag:s18], $0x4000  }
0x2c: {  	[sflag:s18] =	ssyncset.done $0x0  }
0x2d: {  	[sflag:s18] =	ssyncadd.s32 $0xFFFFC000  }
0x2e: {  	[tilespmem:s19], [sflag:$0x2] =	stream.linear.gather [hbm4b:s14+s25], $0x4000, $0x38;
	[tilespmem:$0x1FC00] =	vst v63  }
0x2f: {  	_ =	swait.ge [sflag:s18], $0x4000  }
0x30: {  	[sflag:s18] =	ssyncset.done $0x0  }
0x31: {  	s30 =	simm.s32 $0x0;
	[sflag:s18] =	ssyncadd.s32 $0xFFFFC000  }
0x32: {  	[tilespmem:s21], [sflag:$0x1] =	stream.indirect.gather [hbm4b:s4+s20], $0x80, s30, s20, $0xb8;
	[tilespmem:$0x1FC00] =	vst v63  }
0x33: {  	_ =	swait.ge [sflag:s22], $0x4000  }
0x34: {  	[sflag:s22] =	ssyncset.done $0x0  }
0x35: {  	s31 =	simm.s32 $0x4000;
	[sflag:s22] =	ssyncadd.s32 $0xFFFFC000  }
0x36: {  	[spmem:s2] =	stream.indirect.scatter.add.f32 [tilespmem:s21], [sflag:$0x2], $0x80, s31, s20, $0xb8;
	[tilespmem:$0x1FC00] =	vst v63  }
0x37: {  	_ =	swait.ge [sflag:s18], $0x4000  }
0x38: {  	s26 =	simm.s32 $0x400;
	s25 =	simm.s32 $0x200;
	[sflag:s18] =	ssyncset.done $0x0  }
.LBB2_3:
0x39: {  	s28 =	sshra.s32 s25, $0x2  }
0x3a: {  	[sflag:s18] =	ssyncadd.s32 $0xFFFFC000;
	s25 =	smov.u32 s26;
	s29 =	sadd.s32 $0x200, s26  }
0x3b: {  	[tilespmem:s21], [sflag:$0x1] =	stream.indirect.gather [hbm4b:s4+s20], $0x80, s28, s20, $0xb8;
	[tilespmem:$0x1FC00] =	vst v63  }
0x3c: {  	p1 =	seq.s32 s26, $0xFE00;
	_ =	swait.ge [sflag:s22], $0x4000  }
.Ltmp3:
0x3d: {  	[sflag:s22] =	ssyncset.done $0x0;
	(pc) =	sbr.rel @!p1 .LBB2_3-.Ltmp3, $4  }
0x3e: {  	s26 =	sadd.s32 $0x4000, s28;
	[sflag:s22] =	ssyncadd.s32 $0xFFFFC000  }
0x3f: {  	[spmem:s2] =	stream.indirect.scatter.add.f32 [tilespmem:s21], [sflag:$0x2], $0x80, s26, s20, $0xb8;
	[tilespmem:$0x1FC00] =	vst v63  }
0x40: {  	_ =	swait.ge [sflag:s18], $0x4000  }
0x41: {  	s26 =	smov.u32 s29;
	[sflag:s18] =	ssyncset.done $0x0  }
0x42: {  	s25 =	sshra.s32 s25, $0x2;
	[sflag:s18] =	ssyncadd.s32 $0xFFFFC000  }
0x43: {  	[tilespmem:s21], [sflag:$0x1] =	stream.indirect.gather [hbm4b:s4+s20], $0x80, s25, s20, $0xb8;
	[tilespmem:$0x1FC00] =	vst v63  }
0x44: {  	_ =	swait.ge [sflag:s22], $0x4000  }
0x45: {  	[sflag:s22] =	ssyncset.done $0x0  }
.Ltmp4:
0x46: {  	s25 =	sadd.s32 $0x4000, s25;
	[sflag:s22] =	ssyncadd.s32 $0xFFFFC000;
	(pc) =	sbr.rel .LBB2_10-.Ltmp4, $4  }
0x47: {  	[spmem:s2] =	stream.indirect.scatter.add.f32 [tilespmem:s21], [sflag:$0x2], $0x80, s25, s20, $0xb8;
	[tilespmem:$0x1FC00] =	vst v63  }
0x48: {  	_ =	swait.ge [sflag:s18], $0x4000  }
0x49: {  	[sflag:s18] =	ssyncset.done $0x0  }
0x4a: {  	[sflag:s18] =	ssyncadd.s32 $0xFFFFC000  }
.LBB2_5:
0x4b: {  	s25 =	sshra.s32 s3, $0x2;
	s26 =	sadd.s32 $0x200, s3  }
.LBB2_6:
0x4c: {  	p1 =	sne.s32 s26, $0xFE00;
	[tilespmem:s25+$0x8070] =	vst v0  }
0x4d: {  	[tilespmem:s25+$0x8000] =	vst v0  }
0x4e: {  	[tilespmem:s25+$0x8010] =	vst v0  }
.Ltmp5:
0x4f: {  	[tilespmem:s25+$0x8020] =	vst v0;
	(pc) =	sbr.rel @p1 .LBB2_6-.Ltmp5, $4  }
0x50: {  	[tilespmem:s25+$0x8030] =	vst v0  }
0x51: {  	[tilespmem:s25+$0x8040] =	vst v0  }
0x52: {  	[tilespmem:s25+$0x8050] =	vst v0  }
0x53: {  	[tilespmem:s25+$0x8060] =	vst v0;
	s25 =	sshra.s32 s26, $0x2;
	s26 =	sadd.s32 $0x200, s26  }
0x54: {  	[tilespmem:s25+$0x8070] =	vst v0  }
0x55: {  	[tilespmem:s25+$0x8000] =	vst v0  }
0x56: {  	[tilespmem:s25+$0x8010] =	vst v0  }
0x57: {  	[tilespmem:s25+$0x8020] =	vst v0  }
0x58: {  	[tilespmem:s25+$0x8030] =	vst v0  }
0x59: {  	[tilespmem:s25+$0x8040] =	vst v0  }
0x5a: {  	[tilespmem:s25+$0x8050] =	vst v0  }
0x5b: {  	[tilespmem:s25+$0x8060] =	vst v0  }
0x5c: {  	[spmem:s5] =	stream.linear.scatter [tilespmem:s21], [sflag:$0x2], $0x4000, $0x38;
	[tilespmem:$0x1FC00] =	vst v63  }
0x5d: {  	_ =	swait.ge [sflag:s18], $0x4000  }
0x5e: {  	[sflag:s18] =	ssyncset.done $0x0  }
0x5f: {  	[sflag:s18] =	ssyncadd.s32 $0xFFFFC000  }
0x60: {  	[spmem:s6] =	stream.linear.scatter [tilespmem:s21], [sflag:$0x2], $0x4000, $0x38;
	[tilespmem:$0x1FC00] =	vst v63  }
0x61: {  	_ =	swait.ge [sflag:s18], $0x4000  }
0x62: {  	[sflag:s18] =	ssyncset.done $0x0  }
0x63: {  	[sflag:s18] =	ssyncadd.s32 $0xFFFFC000  }
0x64: {  	[spmem:s7] =	stream.linear.scatter [tilespmem:s21], [sflag:$0x2], $0x4000, $0x38;
	[tilespmem:$0x1FC00] =	vst v63  }
0x65: {  	_ =	swait.ge [sflag:s18], $0x4000  }
0x66: {  	[sflag:s18] =	ssyncset.done $0x0  }
0x67: {  	[sflag:s18] =	ssyncadd.s32 $0xFFFFC000  }
0x68: {  	[spmem:s8] =	stream.linear.scatter [tilespmem:s21], [sflag:$0x2], $0x4000, $0x38;
	[tilespmem:$0x1FC00] =	vst v63  }
0x69: {  	_ =	swait.ge [sflag:s18], $0x4000  }
0x6a: {  	[sflag:s18] =	ssyncset.done $0x0  }
0x6b: {  	[sflag:s18] =	ssyncadd.s32 $0xFFFFC000  }
0x6c: {  	[spmem:s9] =	stream.linear.scatter [tilespmem:s21], [sflag:$0x2], $0x3C00, $0x38;
	[tilespmem:$0x1FC00] =	vst v63  }
0x6d: {  	_ =	swait.ge [sflag:s18], $0x3C00  }
0x6e: {  	[sflag:s18] =	ssyncset.done $0x0  }
0x6f: {  	[sflag:s18] =	ssyncadd.s32 $0xFFFFC400  }
0x70: {  	s29 =	simm.s32 $0x0;
	[bflag:$0x0] =	sbarrier.arrive $0xFFFF  }
0x71: {  	[tilespmem:s29], [sflag:$0x2] =	stream.linear.gather [hbm4b:s10+s29], $0x1000, $0x38;
	[tilespmem:$0x1FC00] =	vst v63  }
0x72: {  	_ =	swait.ge [sflag:s18], $0x1000  }
0x73: {  	[sflag:s18] =	ssyncset.done $0x0  }
0x74: {  	[sflag:s18] =	ssyncadd.s32 $0xFFFFF000  }
0x75: {  	[tilespmem:s19], [sflag:$0x2] =	stream.linear.gather [hbm4b:s11+s29], $0x1000, $0x38;
	[tilespmem:$0x1FC00] =	vst v63  }
0x76: {  	_ =	swait.ge [sflag:s18], $0x1000  }
0x77: {  	[sflag:s18] =	ssyncset.done $0x0  }
0x78: {  	s30 =	simm.s32 $0x0;
	[sflag:s18] =	ssyncadd.s32 $0xFFFFF000  }
0x79: {  	[tilespmem:s21], [sflag:$0x1] =	stream.indirect.gather [hbm4b:s4+s20], $0x80, s30, s20, $0xb8;
	[tilespmem:$0x1FC00] =	vst v63  }
0x7a: {  	_ =	swait.ge [sflag:s22], $0x4000  }
0x7b: {  	[sflag:s22] =	ssyncset.done $0x0  }
0x7c: {  	s31 =	simm.s32 $0x4000;
	[sflag:s22] =	ssyncadd.s32 $0xFFFFC000  }
0x7d: {  	[spmem:s2] =	stream.indirect.scatter.add.f32 [tilespmem:s21], [sflag:$0x2], $0x80, s31, s20, $0xb8;
	[tilespmem:$0x1FC00] =	vst v63  }
0x7e: {  	_ =	swait.ge [sflag:s18], $0x4000  }
0x7f: {  	s25 =	simm.s32 $0x200;
	s26 =	simm.s32 $0x400;
	[sflag:s18] =	ssyncset.done $0x0  }
.LBB2_8:
0x80: {  	s28 =	sshra.s32 s25, $0x2  }
0x81: {  	[sflag:s18] =	ssyncadd.s32 $0xFFFFC000;
	s25 =	smov.u32 s26;
	s29 =	sadd.s32 $0x200, s26  }
0x82: {  	[tilespmem:s21], [sflag:$0x1] =	stream.indirect.gather [hbm4b:s4+s20], $0x80, s28, s20, $0xb8;
	[tilespmem:$0x1FC00] =	vst v63  }
0x83: {  	p1 =	sne.s32 s26, $0x3E00;
	_ =	swait.ge [sflag:s22], $0x4000  }
.Ltmp6:
0x84: {  	[sflag:s22] =	ssyncset.done $0x0;
	(pc) =	sbr.rel @p1 .LBB2_8-.Ltmp6, $4  }
0x85: {  	s26 =	sadd.s32 $0x4000, s28;
	[sflag:s22] =	ssyncadd.s32 $0xFFFFC000  }
0x86: {  	[spmem:s2] =	stream.indirect.scatter.add.f32 [tilespmem:s21], [sflag:$0x2], $0x80, s26, s20, $0xb8;
	[tilespmem:$0x1FC00] =	vst v63  }
0x87: {  	_ =	swait.ge [sflag:s18], $0x4000  }
0x88: {  	s26 =	smov.u32 s29;
	[sflag:s18] =	ssyncset.done $0x0  }
.Ltmp7:
0x89: {  	_ = 	snop;
	(pc) =	sbr.rel .LBB2_9-.Ltmp7, $1  }
0x8a: {  	_ =	sdelay $0x3  }
.LBB2_11:
0x8b: {  	_ =	sfence.sel $0x180000  }
0x8c: {  	[bflag:$0x0] =	sbarrier.arrive $0xFFFF  }
0x8d: {  	p0 =	sne.s32 s1, $0x0;
	_ =	strace $0x90000047  }
0x8e: {  	s0 =	sadd.s32 @!p0 $0x100000, s0;
	[bflag:$0x2] =	sbarrier.arrive $0xFFFF  }
0x8f: {  	[sflag:s0] =	ssyncadd.tile.s32 @!p0 $0x1;
	_ =	shalt  }
.Lfunc_end2:
_tile_overlayer_lowered:
.L_overlay_start_2:
0x90: {  	(tag) =	ssettag $0x2  }
0x91: {  	s0 =	rddreg [dreg:$0x0];
	s2 =	stileid.u32  }
0x92: {  	s1 =	rddreg [dreg:$0x1];
	p0 =	sne.s32 s2, $0x0  }
0x93: {  	s3 =	rddreg [dreg:$0x2];
	[bflag:$0x3] =	sbarrier.arrive $0xFFFF;
	s2 =	simm.s32 @!p0 $0x1C02  }
0x94: {  	[timem:s3], [sflag:s2] =	dma.local @!p0 [hbm:s0], s1  }
0x95: {  	s0 =	simm.s32 @!p0 $0x2  }
0x96: {  	_ =	swait.ge @!p0 [sflag:s0], s1  }
0x97: {  	s1 =	ssub.s32 @!p0 $0x0, s1;
	[sflag:s0] =	ssyncset.done @!p0 $0x0  }
0x98: {  	[sflag:s0] =	ssyncadd.s32 @!p0 s1  }
0x99: {  	[bflag:$0x3] =	sbarrier.arrive $0xFFFF  }
0x9a: {  	_ =	shalt  }

</sc_bundles>
